<compile_context>
chip_gen: v7x
topology: tpu7x:2x2x1
jax: 0.10.2.dev20260603
libtpu: 0.0.44.dev20260713+nightly
codegen_flags: <defaults>
</compile_context>

<pallas_src>
import functools

import jax
import jax.numpy as jnp
from jax import lax
from jax.experimental import pallas as pl
from jax.experimental.pallas import tpu as pltpu
from jax.experimental.pallas import tpu_sc as plsc

N_NODES = 10000
D = 128
N_EDGES = 320000

_NC = 2
_NS = 16
_NW = _NC * _NS
_L = 16
_ROW_BLK = 2000

_CHUNK = 128
_BASE_CHUNKS = 78
_MAX_EDGES = (_BASE_CHUNKS + 1) * _CHUNK


def _matvec_body(x_ref, wrel_ref, wroot_ref, b_ref, srel_ref, base_ref):
    xb = x_ref[...]
    dn = (((1,), (1,)), ((), ()))
    srel_ref[...] = jax.lax.dot_general(
        wrel_ref[...], xb, dn, preferred_element_type=jnp.float32
    )
    base_ref[...] = (
        jax.lax.dot_general(wroot_ref[...], xb, dn, preferred_element_type=jnp.float32)
        + b_ref[0, 0]
    )


def _edge_body(srel_hbm, edge_hbm, out_hbm, srel_sh, srel_v, edges_v, acc_v, sem):
    sid = lax.axis_index("s")
    wid = sid * _NC + lax.axis_index("c")
    extra = jnp.maximum(wid - 28, 0)
    c0 = pl.multiple_of((wid * _BASE_CHUNKS + extra) * _CHUNK, _CHUNK)
    nvec = (_BASE_CHUNKS * _CHUNK) // _L + jnp.where(wid >= 28, 8, 0)

    cp_e = pltpu.async_copy(edge_hbm.at[:, pl.ds(c0, _MAX_EDGES)], edges_v, sem)

    with jax.named_scope("ph_srel_bcast"):

        @pl.when(sid == 0)
        def _():
            pltpu.sync_copy(srel_hbm.at[0], srel_sh)

        plsc.subcore_barrier()
        pltpu.sync_copy(srel_sh, srel_v)

    zero16 = jnp.zeros((_L,), jnp.float32)

    with jax.named_scope("ph_zero"):

        @plsc.parallel_loop(0, N_NODES // _L, unroll=8)
        def zero_step(i):
            acc_v[pl.ds(i * _L, _L)] = zero16

    with jax.named_scope("ph_dma_wait"):
        cp_e.wait()

    with jax.named_scope("ph_edges"):

        @plsc.parallel_loop(0, nvec, unroll=8)
        def edge_step(k):
            sl = pl.ds(k * _L, _L)
            vals = plsc.load_gather(srel_v, [edges_v[0, sl]])
            plsc.addupdate_scatter(acc_v, [edges_v[1, sl]], vals)

    with jax.named_scope("ph_out"):
        pltpu.sync_copy(acc_v, out_hbm.at[wid])


_edge_kernel = functools.partial(
    pl.kernel,
    mesh=plsc.VectorSubcoreMesh(core_axis_name="c", subcore_axis_name="s"),
    compiler_params=pltpu.CompilerParams(needs_layout_passes=False),
    out_type=jax.ShapeDtypeStruct((_NW, N_NODES), jnp.float32),
    scratch_types=[
        pltpu.VMEM_SHARED((N_NODES,), jnp.float32),
        pltpu.VMEM((N_NODES,), jnp.float32),
        pltpu.VMEM((2, _MAX_EDGES), jnp.int32),
        pltpu.VMEM((N_NODES,), jnp.float32),
        pltpu.SemaphoreType.DMA,
    ],
)(_edge_body)


def _combine_body(p_ref, base_ref, out_ref):
    out_ref[...] = jnp.sum(p_ref[...], axis=0, keepdims=True) + base_ref[...]


def kernel(x, edge_index, W_rel, b_rel, W_root):
    edges = edge_index.astype(jnp.int32)
    srel, base = pl.pallas_call(
        _matvec_body,
        out_shape=[
            jax.ShapeDtypeStruct((1, N_NODES), jnp.float32),
            jax.ShapeDtypeStruct((1, N_NODES), jnp.float32),
        ],
    )(x, W_rel.reshape(1, D), W_root.reshape(1, D), b_rel.reshape(1, 1))

    partials = _edge_kernel(srel, edges)

    out_row = pl.pallas_call(
        _combine_body,
        out_shape=jax.ShapeDtypeStruct((1, N_NODES), jnp.float32),
    )(partials, base)
    return out_row.reshape(N_NODES, 1)

# --- scband reference (transcript-rebuilt; emitter-appended) ---
"""Pipeline reference for scband-sagpool-score-35141422416138 (READ-ONLY COPY).

The authoritative reference and input builder live on the scoring server;
editing this copy changes nothing except your own understanding.
"""

import jax, jax.numpy as jnp
import numpy as np

N_NODES = 10000
D = 128
N_EDGES = 320000

def setup_inputs(seed: int = 0) -> dict:
    key = jax.random.key(seed)
    k1, k2, k3, k4, k5 = jax.random.split(key, 5)
    x = jax.random.normal(k1, (N_NODES, D), dtype=jnp.float32)
    edge_index = jax.random.randint(k2, (2, N_EDGES), 0, N_NODES, dtype=jnp.int64)
    # GraphConv(dim, 1): lin_rel (with bias) applied to aggregated neighbors, lin_root (no bias) applied to x
    bound = 1.0 / np.sqrt(D)
    W_rel = jax.random.uniform(k3, (D, 1), dtype=jnp.float32, minval=-bound, maxval=bound)
    b_rel = jax.random.uniform(k4, (1,), dtype=jnp.float32, minval=-bound, maxval=bound)
    W_root = jax.random.uniform(k5, (D, 1), dtype=jnp.float32, minval=-bound, maxval=bound)
    return {"x": x, "edge_index": edge_index, "W_rel": W_rel, "b_rel": b_rel, "W_root": W_root}

def reference(x, edge_index, W_rel, b_rel, W_root):
    # SAGPoolScore.forward: attn = GraphConv(dim, 1)(x, edge_index)
    # GraphConv: out = lin_rel(sum_{j in N(i)} x_j) + lin_root(x_i)
    src = edge_index[0]
    dst = edge_index[1]
    messages = jnp.take(x, src, axis=0)  # gather x_j per edge
    agg = jax.ops.segment_sum(messages, dst, num_segments=x.shape[0])  # scatter-add to dst nodes
    attn = agg @ W_rel + b_rel + x @ W_root
    return attn

if __name__ == "__main__":
    import jax
    _d = setup_inputs()
    print(jax.jit(kernel)(*tuple(_d.values())))

</pallas_src>

<mosaic_0001>
#map = affine_map<(d0, d1) -> (0, 0)>
module attributes {stable_mosaic.version = 14 : i64} {
  func.func @_edge_body(%arg0: i32, %arg1: i32, %arg2: memref<1x10000xf32, #tpu.memory_space<hbm>>, %arg3: memref<2x320000xi32, #tpu.memory_space<hbm>>, %arg4: memref<32x10000xf32, #tpu.memory_space<hbm>>, %arg5: memref<10000xf32, #tpu.memory_space<vmem_shared>>, %arg6: memref<10000xf32, #tpu.memory_space<vmem>>, %arg7: memref<2x10112xi32, #tpu.memory_space<vmem>>, %arg8: memref<10000xf32, #tpu.memory_space<vmem>>, %arg9: memref<!tpu.dma_semaphore, #tpu.memory_space<semaphore_mem>>) attributes {dimension_semantics = [#tpu.dimension_semantics<core_parallel>, #tpu.dimension_semantics<subcore_parallel>], iteration_bounds = array<i64: 2, 16>, scalar_prefetch = 0 : i64, scratch_operands = 5 : i64, tpu.core_type = #tpu.core_type<sc_vector_subcore>, window_params = [{transform_indices = #map}, {transform_indices = #map}, {transform_indices = #map}]} {
    %mul3A = arith.constant 2 : i32
    %mul3A_0 = arith.muli %arg1, %mul3A : i32
    %add3A = arith.addi %mul3A_0, %arg0 : i32
    %sub3A = arith.constant 28 : i32
    %sub3A_1 = arith.subi %add3A, %sub3A : i32
    %max3A = arith.constant 0 : i32
    %max3A_2 = arith.maxsi %sub3A_1, %max3A : i32
    %mul3A_3 = arith.constant 78 : i32
    %mul3A_4 = arith.muli %add3A, %mul3A_3 : i32
    %add3A_5 = arith.addi %mul3A_4, %max3A_2 : i32
    %mul3A_6 = arith.constant 128 : i32
    %mul3A_7 = arith.muli %add3A_5, %mul3A_6 : i32
    %multiple_of3A = tpu.assume_multiple %mul3A_7, 128 : i32
    %ge3A = arith.constant 28 : i32
    %ge3A_8 = arith.cmpi sge, %add3A, %ge3A : i32
    %jit3A = arith.constant 8 : i32
    %jit3A_9 = arith.constant 0 : i32
    %select_n3A = arith.select %ge3A_8, %jit3A, %jit3A_9 : i32
    %add3A_10 = arith.constant 624 : i32
    %add3A_11 = arith.addi %add3A_10, %select_n3A : i32
    %dma_start3A = arith.constant 0 : i32
    %dma_start3A_12 = tpu.memref_slice %arg3[%dma_start3A, %multiple_of3A] : memref<2x320000xi32, #tpu.memory_space<hbm>> -> memref<2x10112xi32, #tpu.memory_space<hbm>>
    %dma_start3A_13 = arith.constant 0 : i32
    %dma_start3A_14 = tpu.memref_slice %arg3[%dma_start3A_13, %multiple_of3A] : memref<2x320000xi32, #tpu.memory_space<hbm>> -> memref<2x10112xi32, #tpu.memory_space<hbm>>
    tpu.enqueue_dma source(%dma_start3A_14 : memref<2x10112xi32, #tpu.memory_space<hbm>>) target(%arg7 : memref<2x10112xi32, #tpu.memory_space<vmem>>) target_semaphore(%arg9 : memref<!tpu.dma_semaphore, #tpu.memory_space<semaphore_mem>>)
    %eq3A = arith.constant 0 : i32
    "tpu.trace_start"() <{level = 10 : i32, message = "ph_srel_bcast"}> : () -> ()
    %eq3A_15 = arith.cmpi eq, %arg1, %eq3A : i32
    %convert_element_type3A = arith.extui %eq3A_15 : i1 to i32
    %cond3A = arith.constant 0 : i32
    %cond3A_16 = arith.cmpi ne, %convert_element_type3A, %cond3A : i32
    scf.if %cond3A_16 {
      %run_scoped3A = arith.constant 0 : i32
      "tpu.region"() ({
        %run_scoped3A_25 = tpu.sem_alloc : memref<!tpu.dma_semaphore, #tpu.memory_space<semaphore_mem>>
        %dma_start3A_26 = arith.constant 0 : i32
        %dma_start3A_27 = tpu.memref_slice %arg2[%run_scoped3A, %dma_start3A_26] : memref<1x10000xf32, #tpu.memory_space<hbm>> -> memref<1x10000xf32, #tpu.memory_space<hbm>>
        %dma_start3A_28 = tpu.memref_squeeze %dma_start3A_27 : memref<1x10000xf32, #tpu.memory_space<hbm>> -> memref<10000xf32, #tpu.memory_space<hbm>>
        tpu.enqueue_dma source(%dma_start3A_28 : memref<10000xf32, #tpu.memory_space<hbm>>) target(%arg5 : memref<10000xf32, #tpu.memory_space<vmem_shared>>) target_semaphore(%run_scoped3A_25 : memref<!tpu.dma_semaphore, #tpu.memory_space<semaphore_mem>>)
        %dma_wait3A_29 = arith.constant 0 : i32
        %dma_wait3A_30 = tpu.memref_slice %arg2[%run_scoped3A, %dma_wait3A_29] : memref<1x10000xf32, #tpu.memory_space<hbm>> -> memref<1x10000xf32, #tpu.memory_space<hbm>>
        %dma_wait3A_31 = tpu.memref_squeeze %dma_wait3A_30 : memref<1x10000xf32, #tpu.memory_space<hbm>> -> memref<10000xf32, #tpu.memory_space<hbm>>
        tpu.wait_dma2 semaphore(%run_scoped3A_25 : memref<!tpu.dma_semaphore, #tpu.memory_space<semaphore_mem>>) src(%dma_wait3A_31 : memref<10000xf32, #tpu.memory_space<hbm>>) dst(%arg5 : memref<10000xf32, #tpu.memory_space<vmem_shared>>)
        tpu.yield
      }) : () -> ()
    } else {
    }
    %barrier3A = arith.constant 0 : index
    tpu.barrier barrier_id(%barrier3A)
    "tpu.region"() ({
      %run_scoped3A = tpu.sem_alloc : memref<!tpu.dma_semaphore, #tpu.memory_space<semaphore_mem>>
      tpu.enqueue_dma source(%arg5 : memref<10000xf32, #tpu.memory_space<vmem_shared>>) target(%arg6 : memref<10000xf32, #tpu.memory_space<vmem>>) target_semaphore(%run_scoped3A : memref<!tpu.dma_semaphore, #tpu.memory_space<semaphore_mem>>)
      tpu.wait_dma2 semaphore(%run_scoped3A : memref<!tpu.dma_semaphore, #tpu.memory_space<semaphore_mem>>) src(%arg5 : memref<10000xf32, #tpu.memory_space<vmem_shared>>) dst(%arg6 : memref<10000xf32, #tpu.memory_space<vmem>>)
      tpu.yield
    }) : () -> ()
    %broadcast_in_dim3A = arith.constant 0.000000e+00 : f32
    "tpu.trace_stop"() : () -> ()
    %broadcast_in_dim3A_17 = vector.broadcast %broadcast_in_dim3A : f32 to vector<16xf32>
    %parallel_loop3A = arith.constant 0 : i32
    %parallel_loop3A_18 = arith.constant 625 : i32
    %parallel_loop3A_19 = arith.constant 1 : i32
    "tpu.trace_start"() <{level = 10 : i32, message = "ph_zero"}> : () -> ()
    scf.for %parallel_loop3A_25 = %parallel_loop3A to %parallel_loop3A_18 step %parallel_loop3A_19  : i32 {
      %parallel_loop3A_26 = arith.constant 16 : i32
      %parallel_loop3A_27 = arith.muli %parallel_loop3A_25, %parallel_loop3A_26 : i32
      %parallel_loop3A_28 = arith.index_cast %parallel_loop3A_27 : i32 to index
      %parallel_loop3A_29 = tpu.vector_load %arg8[%parallel_loop3A_28] {strides = array<i32>} : memref<10000xf32, #tpu.memory_space<vmem>>, vector<16xf32>,
      tpu.vector_store %arg8[%parallel_loop3A_28], %broadcast_in_dim3A_17 {strides = array<i32>} : memref<10000xf32, #tpu.memory_space<vmem>>, vector<16xf32>,
    } {sc.loop_unroll_factor = 8 : i64, sc.parallel_access}
    "tpu.trace_stop"() : () -> ()
    "tpu.trace_start"() <{level = 10 : i32, message = "ph_dma_wait"}> : () -> ()
    %dma_wait3A = arith.constant 0 : i32
    %dma_wait3A_20 = tpu.memref_slice %arg3[%dma_wait3A, %multiple_of3A] : memref<2x320000xi32, #tpu.memory_space<hbm>> -> memref<2x10112xi32, #tpu.memory_space<hbm>>
    %dma_wait3A_21 = arith.constant 0 : i32
    %dma_wait3A_22 = tpu.memref_slice %arg3[%dma_wait3A_21, %multiple_of3A] : memref<2x320000xi32, #tpu.memory_space<hbm>> -> memref<2x10112xi32, #tpu.memory_space<hbm>>
    tpu.wait_dma2 semaphore(%arg9 : memref<!tpu.dma_semaphore, #tpu.memory_space<semaphore_mem>>) src(%dma_wait3A_22 : memref<2x10112xi32, #tpu.memory_space<hbm>>) dst(%arg7 : memref<2x10112xi32, #tpu.memory_space<vmem>>)
    %parallel_loop3A_23 = arith.constant 0 : i32
    %parallel_loop3A_24 = arith.constant 1 : i32
    "tpu.trace_stop"() : () -> ()
    "tpu.trace_start"() <{level = 10 : i32, message = "ph_edges"}> : () -> ()
    scf.for %parallel_loop3A_25 = %parallel_loop3A_23 to %add3A_11 step %parallel_loop3A_24  : i32 {
      %parallel_loop3A_26 = arith.constant 16 : i32
      %parallel_loop3A_27 = arith.muli %parallel_loop3A_25, %parallel_loop3A_26 : i32
      %parallel_loop3A_28 = arith.constant 0 : i32
      %parallel_loop3A_29 = arith.index_cast %parallel_loop3A_28 : i32 to index
      %parallel_loop3A_30 = arith.index_cast %parallel_loop3A_27 : i32 to index
      %parallel_loop3A_31 = tpu.vector_load %arg7[%parallel_loop3A_29, %parallel_loop3A_30] {strides = array<i32>} : memref<2x10112xi32, #tpu.memory_space<vmem>>, vector<16xi32>,
      %parallel_loop3A_32 = tpu.vector_load_idx %arg6[%parallel_loop3A_31] : memref<10000xf32, #tpu.memory_space<vmem>>[vector<16xi32>], vector<16xf32>,
      %parallel_loop3A_33 = arith.constant 1 : i32
      %parallel_loop3A_34 = arith.index_cast %parallel_loop3A_33 : i32 to index
      %parallel_loop3A_35 = arith.index_cast %parallel_loop3A_27 : i32 to index
      %parallel_loop3A_36 = tpu.vector_load %arg7[%parallel_loop3A_34, %parallel_loop3A_35] {strides = array<i32>} : memref<2x10112xi32, #tpu.memory_space<vmem>>, vector<16xi32>,
      tpu.vector_store_idx %arg8[%parallel_loop3A_36], %parallel_loop3A_32 {add = true} : memref<10000xf32, #tpu.memory_space<vmem>>[vector<16xi32>], vector<16xf32>,
    } {sc.loop_unroll_factor = 8 : i64, sc.parallel_access}
    "tpu.trace_stop"() : () -> ()
    "tpu.trace_start"() <{level = 10 : i32, message = "ph_out"}> : () -> ()
    "tpu.region"() ({
      %run_scoped3A = tpu.sem_alloc : memref<!tpu.dma_semaphore, #tpu.memory_space<semaphore_mem>>
      %dma_start3A_25 = arith.constant 0 : i32
      %dma_start3A_26 = tpu.memref_slice %arg4[%add3A, %dma_start3A_25] : memref<32x10000xf32, #tpu.memory_space<hbm>> -> memref<1x10000xf32, #tpu.memory_space<hbm>>
      %dma_start3A_27 = tpu.memref_squeeze %dma_start3A_26 : memref<1x10000xf32, #tpu.memory_space<hbm>> -> memref<10000xf32, #tpu.memory_space<hbm>>
      %dma_start3A_28 = arith.constant 0 : i32
      %dma_start3A_29 = tpu.memref_slice %arg4[%add3A, %dma_start3A_28] : memref<32x10000xf32, #tpu.memory_space<hbm>> -> memref<1x10000xf32, #tpu.memory_space<hbm>>
      %dma_start3A_30 = tpu.memref_squeeze %dma_start3A_29 : memref<1x10000xf32, #tpu.memory_space<hbm>> -> memref<10000xf32, #tpu.memory_space<hbm>>
      tpu.enqueue_dma source(%arg8 : memref<10000xf32, #tpu.memory_space<vmem>>) target(%dma_start3A_30 : memref<10000xf32, #tpu.memory_space<hbm>>) target_semaphore(%run_scoped3A : memref<!tpu.dma_semaphore, #tpu.memory_space<semaphore_mem>>)
      %dma_wait3A_31 = arith.constant 0 : i32
      %dma_wait3A_32 = tpu.memref_slice %arg4[%add3A, %dma_wait3A_31] : memref<32x10000xf32, #tpu.memory_space<hbm>> -> memref<1x10000xf32, #tpu.memory_space<hbm>>
      %dma_wait3A_33 = tpu.memref_squeeze %dma_wait3A_32 : memref<1x10000xf32, #tpu.memory_space<hbm>> -> memref<10000xf32, #tpu.memory_space<hbm>>
      %dma_wait3A_34 = arith.constant 0 : i32
      %dma_wait3A_35 = tpu.memref_slice %arg4[%add3A, %dma_wait3A_34] : memref<32x10000xf32, #tpu.memory_space<hbm>> -> memref<1x10000xf32, #tpu.memory_space<hbm>>
      %dma_wait3A_36 = tpu.memref_squeeze %dma_wait3A_35 : memref<1x10000xf32, #tpu.memory_space<hbm>> -> memref<10000xf32, #tpu.memory_space<hbm>>
      tpu.wait_dma2 semaphore(%run_scoped3A : memref<!tpu.dma_semaphore, #tpu.memory_space<semaphore_mem>>) src(%arg8 : memref<10000xf32, #tpu.memory_space<vmem>>) dst(%dma_wait3A_36 : memref<10000xf32, #tpu.memory_space<hbm>>)
      tpu.yield
    }) : () -> ()
    "tpu.trace_stop"() : () -> ()
    return
  }
}

module attributes {stable_mosaic.version = 14 : i64} {
  func.func @_combine_body(%arg0: memref<32x10000xf32, #tpu.memory_space<vmem>>, %arg1: memref<1x10000xf32, #tpu.memory_space<vmem>>, %arg2: memref<1x10000xf32, #tpu.memory_space<vmem>>) attributes {dimension_semantics = [], scalar_prefetch = 0 : i64, scratch_operands = 0 : i64, tpu.core_type = #tpu.core_type<tc>} {
    %get3A = arith.constant 0 : index
    %get3A_0 = arith.constant 0 : index
    %get3A_1 = vector.load %arg0[%get3A, %get3A_0] : memref<32x10000xf32, #tpu.memory_space<vmem>>, vector<32x10000xf32>
    %reduce_sum3A = arith.constant dense<0.000000e+00> : vector<10000xf32>
    %reduce_sum3A_2 = vector.multi_reduction <add>, %get3A_1, %reduce_sum3A [0] : vector<32x10000xf32> to vector<10000xf32>
    %broadcast_in_dim3A = vector.shape_cast %reduce_sum3A_2 : vector<10000xf32> to vector<1x10000xf32>
    %get3A_3 = arith.constant 0 : index
    %get3A_4 = arith.constant 0 : index
    %get3A_5 = vector.load %arg1[%get3A_3, %get3A_4] : memref<1x10000xf32, #tpu.memory_space<vmem>>, vector<1x10000xf32>
    %add3A = arith.addf %broadcast_in_dim3A, %get3A_5 : vector<1x10000xf32>
    %swap3A = arith.constant 0 : index
    %swap3A_6 = arith.constant 0 : index
    %swap3A_7 = vector.load %arg2[%swap3A, %swap3A_6] : memref<1x10000xf32, #tpu.memory_space<vmem>>, vector<1x10000xf32>
    tpu.vector_store %arg2[%swap3A, %swap3A_6], %add3A {strides = array<i32>} : memref<1x10000xf32, #tpu.memory_space<vmem>>, vector<1x10000xf32>,
    return
  }
}

module attributes {stable_mosaic.version = 14 : i64} {
  func.func @_matvec_body(%arg0: memref<10000x128xf32, #tpu.memory_space<vmem>>, %arg1: memref<1x128xf32, #tpu.memory_space<vmem>>, %arg2: memref<1x128xf32, #tpu.memory_space<vmem>>, %arg3: memref<1x1xf32, #tpu.memory_space<vmem>>, %arg4: memref<1x10000xf32, #tpu.memory_space<vmem>>, %arg5: memref<1x10000xf32, #tpu.memory_space<vmem>>) attributes {dimension_semantics = [], scalar_prefetch = 0 : i64, scratch_operands = 0 : i64, tpu.core_type = #tpu.core_type<tc>} {
    %get3A = arith.constant 0 : index
    %get3A_0 = arith.constant 0 : index
    %get3A_1 = vector.load %arg0[%get3A, %get3A_0] : memref<10000x128xf32, #tpu.memory_space<vmem>>, vector<10000x128xf32>
    %get3A_2 = arith.constant 0 : index
    %get3A_3 = arith.constant 0 : index
    %get3A_4 = vector.load %arg1[%get3A_2, %get3A_3] : memref<1x128xf32, #tpu.memory_space<vmem>>, vector<1x128xf32>
    %dot_general3A = arith.constant dense<0.000000e+00> : vector<1x10000xf32>
    %dot_general3A_5 = tpu.matmul %get3A_4, %get3A_1, %dot_general3A {dimension_numbers = #tpu.dot_dimension_numbers<[1], [1], [0], [0], [0, 0, 1, 0], [], []>, transpose_lhs_hint = false} : vector<1x128xf32>, vector<10000x128xf32>, vector<1x10000xf32> -> vector<1x10000xf32>
    %swap3A = arith.constant 0 : index
    %swap3A_6 = arith.constant 0 : index
    %swap3A_7 = vector.load %arg4[%swap3A, %swap3A_6] : memref<1x10000xf32, #tpu.memory_space<vmem>>, vector<1x10000xf32>
    tpu.vector_store %arg4[%swap3A, %swap3A_6], %dot_general3A_5 {strides = array<i32>} : memref<1x10000xf32, #tpu.memory_space<vmem>>, vector<1x10000xf32>,
    %get3A_8 = arith.constant 0 : index
    %get3A_9 = arith.constant 0 : index
    %get3A_10 = vector.load %arg2[%get3A_8, %get3A_9] : memref<1x128xf32, #tpu.memory_space<vmem>>, vector<1x128xf32>
    %dot_general3A_11 = arith.constant dense<0.000000e+00> : vector<1x10000xf32>
    %dot_general3A_12 = tpu.matmul %get3A_10, %get3A_1, %dot_general3A_11 {dimension_numbers = #tpu.dot_dimension_numbers<[1], [1], [0], [0], [0, 0, 1, 0], [], []>, transpose_lhs_hint = false} : vector<1x128xf32>, vector<10000x128xf32>, vector<1x10000xf32> -> vector<1x10000xf32>
    %get3A_13 = arith.constant 0 : index
    %get3A_14 = arith.constant 0 : index
    %get3A_15 = vector.load %arg3[%get3A_13, %get3A_14] : memref<1x1xf32, #tpu.memory_space<vmem>>, vector<1x1xf32>
    %get3A_16 = vector.extract %get3A_15[0, 0] : f32 from vector<1x1xf32>
    %add3A = vector.broadcast %get3A_16 : f32 to vector<1x10000xf32>
    %add3A_17 = arith.addf %dot_general3A_12, %add3A : vector<1x10000xf32>
    %swap3A_18 = arith.constant 0 : index
    %swap3A_19 = arith.constant 0 : index
    %swap3A_20 = vector.load %arg5[%swap3A_18, %swap3A_19] : memref<1x10000xf32, #tpu.memory_space<vmem>>, vector<1x10000xf32>
    tpu.vector_store %arg5[%swap3A_18, %swap3A_19], %add3A_17 {strides = array<i32>} : memref<1x10000xf32, #tpu.memory_space<vmem>>, vector<1x10000xf32>,
    return
  }
}

</mosaic_0001>

<sc_bundles>
// kernel: kernel.5.cloned.1.call-start
scs
__scs_entry_jumppad:
0x0: {  	(pc) =	sbr.rel $0x88, $3  }
0x1: {  	(tag) =	ssettag $0x0;
	lr =	simm.s32 $0x1  }
0x2: {  	[smem:$0x3F9C] =	sst lr;
	_ =	strace $0xD0000000  }
0x3: {  	_ = 	snop  }
0x4: {  	_ = 	snop  }
0x5: {  	_ = 	snop  }
0x6: {  	_ = 	snop  }
0x7: {  	_ = 	snop  }
__scs_overlays_trampoline_lowered:
0x8: {  	[smem:$0x3FAB] =	sst s0  }
0x9: {  	[smem:$0x3FAC] =	sst s1  }
0xa: {  	[smem:$0x3FAD] =	sst s2  }
0xb: {  	[smem:$0x3FAE] =	sst s3  }
0xc: {  	[smem:$0x3FAF] =	sst s4  }
0xd: {  	[smem:$0x3FB0] =	sst s5  }
0xe: {  	[smem:$0x3FB1] =	sst s6  }
0xf: {  	[smem:$0x3FB2] =	sst s7  }
0x10: {  	[smem:$0x3FB3] =	sst s8  }
0x11: {  	[smem:$0x3FB4] =	sst s9;
	s0 =	simm.s32 @!p0 $0x0  }
0x12: {  	s1 =	sld [smem:$0x3F9A];
	s0 =	simm.s32 @p0 $0x1  }
0x13: {  	[smem:$0x3FB5] =	sst s0;
	s0 =	simm.s32 @!p1 $0x0  }
0x14: {  	s2 =	sld [smem:$0x3F99];
	s0 =	simm.s32 @p1 $0x1  }
0x15: {  	[smem:$0x3FB6] =	sst s0;
	s0 =	simm.s32 @!p2 $0x0  }
0x16: {  	s3 =	sld [smem:$0x3FDB];
	s0 =	simm.s32 @p2 $0x1  }
0x17: {  	s4 =	simm.s32 $0x1BF5;
	[smem:$0x3FB8] =	sst s0  }
0x18: {  	s0 =	sld [smem:$0x3F9B];
	_ =	swait.ge [sflag:s4], $0x0  }
0x19: {  	s7 =	sld [smem:$0x3F9C]  }
0x1a: {  	s8 =	sadd.s32 $0xFFFFE003, lr  }
0x1b: {  	s9 =	sadd.s32 $0xFFFFFEF7, lr;
	s5 =	simm.s32 $0xFFFFFFFF;
	p2 =	slt.u32 s8, $0xFFFFF086  }
0x1c: {  	p1 =	slt.u32 s9, $0xF7A;
	s5 =	simm.s32 @!p2 $0x0  }
0x1d: {  	s5 =	simm.s32 @p1 $0x1;
	p0 =	seq.s32 s7, s2  }
0x1e: {  	s7 =	smul.u32 @!p0 $0xF7A, s2;
	p2 =	seq.s32 @!p0 s5, $0x0  }
0x1f: {  	s9 =	smul.u32 $0xF7A, s1;
	s8 =	simm.s32 @!p0 $0x1BF5;
	p2 =	por !p2, p0  }
0x20: {  	[sflag:s8] =	ssyncset.s32 @!p0 $0xFFFFF086;
	s6 =	sadd.s32 @!p0 s3, s7;
	s7 =	simm.s32 @!p0 $0x108  }
0x21: {  	s3 =	sadd.s32 s3, s9;
	s6 =	sadd.s32 @!p0 $0x88, s6;
	s7 =	simm.s32 @p2 $0x1082  }
0x22: {  	[simem:s7], [sflag:s8] =	dma.local @!p0 [hbm:s6], $0xF7A  }
0x23: {  	s9 =	sor.u32 $0xD0000000, s2;
	s6 =	simm.s32 $0x108;
	_ =	swait.ge @!p0 [sflag:s8], $0x0  }
0x24: {  	s3 =	sadd.s32 $0x88, s3;
	s6 =	simm.s32 @!p1 $0x1082;
	[sflag:s4] =	ssyncset.s32 $0xFFFFF086  }
0x25: {  	[simem:s6], [sflag:s4] =	dma.local [hbm:s3], $0xF7A  }
0x26: {  	[smem:$0x3F9C] =	sst s1;
	(tag) =	ssettag s2;
	_ =	strace s9  }
0x27: {  	s1 =	sld [smem:$0x3FAC]  }
0x28: {  	s2 =	sld [smem:$0x3FAD]  }
0x29: {  	s4 =	sld [smem:$0x3FAF]  }
0x2a: {  	p0 =	seq.s32 s5, $0x0;
	s5 =	sld [smem:$0x3FB0]  }
0x2b: {  	s6 =	sld [smem:$0x3FB1]  }
0x2c: {  	s7 =	sld [smem:$0x3FB2]  }
0x2d: {  	s3 =	simm.s32 $0x108;
	s8 =	sld [smem:$0x3FB3]  }
0x2e: {  	s3 =	simm.s32 @!p0 $0x1082;
	s9 =	sld [smem:$0x3FB4]  }
0x2f: {  	lr =	sadd.s32 s0, s3;
	s0 =	sld [smem:$0x3FAB]  }
0x30: {  	s3 =	sld [smem:$0x3FAE]  }
0x31: {  	[smem:$0x3FB7] =	sst s10  }
0x32: {  	s10 =	sld [smem:$0x3FB5];
	_ =	sdelay $0x3  }
0x33: {  	p0 =	seq.s32 s10, $0x1;
	s10 =	sld [smem:$0x3FB7];
	_ =	sdelay $0x3  }
0x34: {  	[smem:$0x3FB7] =	sst s10  }
0x35: {  	s10 =	sld [smem:$0x3FB6];
	_ =	sdelay $0x3  }
0x36: {  	p1 =	seq.s32 s10, $0x1;
	s10 =	sld [smem:$0x3FB7];
	_ =	sdelay $0x3  }
0x37: {  	[smem:$0x3FB7] =	sst s10  }
0x38: {  	s10 =	sld [smem:$0x3FB8]  }
0x39: {  	_ = 	snop;
	(pc) =	sbr.ind lr, $3  }
0x3a: {  	_ = 	snop  }
0x3b: {  	_ = 	snop  }
0x3c: {  	p2 =	seq.s32 s10, $0x1;
	s10 =	sld [smem:$0x3FB7]  }
0x3d: {  	_ =	shalt  }
0x3e: {  	_ =	shalt  }
0x3f: {  	_ =	shalt  }
0x40: {  	_ =	shalt  }
0x41: {  	_ =	shalt  }
0x42: {  	_ =	shalt  }
0x43: {  	_ =	shalt  }
0x44: {  	_ =	shalt  }
0x45: {  	_ =	shalt  }
0x46: {  	_ =	shalt  }
0x47: {  	_ =	shalt  }
0x48: {  	_ =	shalt  }
0x49: {  	_ =	shalt  }
0x4a: {  	_ =	shalt  }
0x4b: {  	_ =	shalt  }
0x4c: {  	_ =	shalt  }
0x4d: {  	_ =	shalt  }
0x4e: {  	_ =	shalt  }
0x4f: {  	_ =	shalt  }
0x50: {  	_ =	shalt  }
0x51: {  	_ =	shalt  }
0x52: {  	_ =	shalt  }
0x53: {  	_ =	shalt  }
0x54: {  	_ =	shalt  }
0x55: {  	_ =	shalt  }
0x56: {  	_ =	shalt  }
0x57: {  	_ =	shalt  }
0x58: {  	_ =	shalt  }
0x59: {  	_ =	shalt  }
0x5a: {  	_ =	shalt  }
0x5b: {  	_ =	shalt  }
0x5c: {  	_ =	shalt  }
0x5d: {  	_ =	shalt  }
0x5e: {  	_ =	shalt  }
0x5f: {  	_ =	shalt  }
0x60: {  	_ =	shalt  }
0x61: {  	_ =	shalt  }
0x62: {  	_ =	shalt  }
0x63: {  	_ =	shalt  }
0x64: {  	_ =	shalt  }
0x65: {  	_ =	shalt  }
0x66: {  	_ =	shalt  }
0x67: {  	_ =	shalt  }
0x68: {  	_ =	shalt  }
0x69: {  	_ =	shalt  }
0x6a: {  	_ =	shalt  }
0x6b: {  	_ =	shalt  }
0x6c: {  	_ =	shalt  }
0x6d: {  	_ =	shalt  }
0x6e: {  	_ =	shalt  }
0x6f: {  	_ =	shalt  }
0x70: {  	_ =	shalt  }
0x71: {  	_ =	shalt  }
0x72: {  	_ =	shalt  }
0x73: {  	_ =	shalt  }
0x74: {  	_ =	shalt  }
0x75: {  	_ =	shalt  }
0x76: {  	_ =	shalt  }
0x77: {  	_ =	shalt  }
0x78: {  	_ =	shalt  }
0x79: {  	_ =	shalt  }
0x7a: {  	_ =	shalt  }
0x7b: {  	_ =	shalt  }
0x7c: {  	_ =	shalt  }
0x7d: {  	_ =	shalt  }
0x7e: {  	_ =	shalt  }
0x7f: {  	_ =	shalt  }
0x80: {  	_ =	shalt  }
0x81: {  	_ =	shalt  }
0x82: {  	_ =	shalt  }
0x83: {  	_ =	shalt  }
0x84: {  	_ =	shalt  }
0x85: {  	_ =	shalt  }
0x86: {  	_ =	shalt  }
0x87: {  	_ =	shalt  }
.Lfunc_end0:
.L_simem_size_0:
called_computation_lowered:
.L_overlay_start_0:
0x88: {  	s2 =	sld [smem:$0x3FD9]  }
0x89: {  	s3 =	sld [smem:$0x3FFE];
	_ =	sdelay $0x1  }
0x8a: {  	s1 =	srdreg.scid  }
0x8b: {  	s0 =	sand.u32 $0x1, s1  }
0x8c: {  	s17 =	sshll.u32 s0, $0xA;
	s2 =	sadd.s32 s3, s2  }
0x8d: {  	s2 =	sadd.s32 s2, s17  }
0x8e: {  	[smem:$0x3FC3] =	sst s2  }
0x8f: {  	_ = 	snop  }
0x90: {  	s2 =	sld [smem:$0x3FC8]  }
0x91: {  	s18 =	sld [smem:$0x3FD0];
	(tm) =	ssettm $0x1  }
0x92: {  	s4 =	sld [smem:$0x3FFB];
	_ =	sdelay $0x3  }
0x93: {  	_ =	strace s4  }
0x94: {  	s4 =	sld [smem:$0x3FFC];
	_ =	sdelay $0x3  }
0x95: {  	_ =	strace s4  }
0x96: {  	s4 =	sld [smem:$0x3FFD];
	_ =	sdelay $0x3  }
0x97: {  	_ =	strace s4  }
0x98: {  	_ =	strace $0x8FFFFFFF  }
0x99: {  	s19 =	sld [smem:$0x3FDB];
	_ =	sdelay $0x1  }
0x9a: {  	s5 =	simm.s32 $_scs_section_size  }
0x9b: {  	s6 =	simm.s32 $_size__tile_overlayer_lowered;
	s7 =	simm.s32 $_tile_overlayer_lowered  }
0x9c: {  	s22 =	simm.s32 $0x1BFF;
	s21 =	sshll.u32 s7, $0x1;
	s4 =	sadd.s32 s5, s19  }
0x9d: {  	s8 =	simm.s32 $0x0;
	s20 =	sshll.u32 s6, $0x1;
	s6 =	sadd.s32 s21, s4  }
0x9e: {  	[timem:s8], [sflag:s22] =	dma.local [hbm:s6], s20  }
0x9f: {  	_ =	swait.ge [sflag:s22], s20  }
0xa0: {  	s5 =	ssub.s32 $0x0, s20;
	[sflag:s22] =	ssyncset.done $0x0  }
0xa1: {  	[sflag:s22] =	ssyncadd.s32 s5;
	_ =	sdelay $0x1  }
0xa2: {  	s23 =	simm.s32 $0x1B8B  }
0xa3: {  	_ =	swait.ge [sflag:s23], $0x1  }
0xa4: {  	[sflag:s23] =	ssyncset.done $0x0  }
0xa5: {  	s25 =	simm.s32 $0x1B8E;
	s24 =	sld [smem:$0x3FFE];
	[sflag:s23] =	ssyncadd.s32 $0xFFFFFFFF  }
0xa6: {  	s26 =	simm.s32 $execute0_lowered;
	[smem:$0x3FD2] =	sst s25  }
0xa7: {  	s6 =	sshll.u32 s26, $0x1;
	_ =	strace $0x80000046;
	[dreg:$0x1] =	wrdreg $0xFFFFFFFF  }
0xa8: {  	s28 =	simm.s32 $_size_execute0_lowered;
	s4 =	sadd.s32 s4, s6;
	[dreg:$0x0] =	wrdreg $0x0  }
0xa9: {  	s6 =	sshll.u32 s28, $0x1;
	[dreg:$0x2] =	wrdreg s4  }
0xaa: {  	[dreg:$0x3] =	wrdreg s6  }
0xab: {  	[dreg:$0x4] =	wrdreg $0xC0  }
0xac: {  	_ =	task [dreg:s8], $0x5FFFF  }
0xad: {  	[dreg:$0x1] =	wrdreg $0xFFFFFFFF  }
0xae: {  	[dreg:$0x0] =	wrdreg $0x60  }
0xaf: {  	[dreg:$0x2] =	wrdreg s18  }
0xb0: {  	[dreg:$0x3] =	wrdreg s2  }
0xb1: {  	[dreg:$0x4] =	wrdreg s24  }
0xb2: {  	[dreg:$0x5] =	wrdreg $0x0  }
0xb3: {  	[dreg:$0x6] =	wrdreg $0x9  }
0xb4: {  	_ =	task.clear_ibuf [dreg:s8], $0x7FFFF;
	_ =	strace $0x90000046  }
0xb5: {  	s29 =	simm.s32 $0x9;
	_ =	strace $0x8000004D  }
0xb6: {  	_ =	swait.ge [sflag:s29], $0x1  }
0xb7: {  	[sflag:s29] =	ssyncadd.s32 $0xFFFFFFFF  }
0xb8: {  	_ =	strace $0x9000004D  }
0xb9: {  	_ =	sfence  }
0xba: {  	s30 =	sld [smem:$0x0];
	_ =	sdelay $0x2  }
0xbb: {  	s31 =	sshll.u32 s1, $0xD;
	s1 =	sshrl.u32 s1, $0x2  }
0xbc: {  	s3 =	sand.u32 $0x4000, s31;
	s1 =	sadd.s32 s1, s30  }
0xbd: {  	s0 =	sor.u32 s3, s0;
	s1 =	sshll.u32 s1, $0x11  }
0xbe: {  	s0 =	sor.u32 s1, s0  }
0xbf: {  	s0 =	sadd.s32 $0x8F2B, s0  }
0xc0: {  	[sflag:s0] =	ssyncadd.remote.s32 $0x1  }
0xc1: {  	_ =	sfence.sel $0xFFFF  }
0xc2: {  	[dreg:$0x0] =	wrdreg $0xFFFFFFFF;
	(pc) =	sbr.abs _section_cstart, $3  }
0xc3: {  	[dreg:$0x1] =	wrdreg $0xFFFFFFFF  }
0xc4: {  	_ =	task.clear_ibuf [dreg:s8], $0x2FFFF;
	_ =	strace $0x9FFFFFFF  }
0xc5: {  	(tm) =	ssettm $0x7FFFFFFF  }
tec
execute0_lowered:
.L_overlay_start_1:
0x0: {  	(tag) =	ssettag $0x1  }
0x1: {  	s0 =	rddreg [dreg:$0x0]  }
0x2: {  	s6 =	rddreg [dreg:$0x1]  }
0x3: {  	s4 =	rddreg [dreg:$0x2]  }
0x4: {  	s2 =	rddreg [dreg:$0x3];
	s3 =	srdreg.scid  }
0x5: {  	s8 =	stileid.u32;
	s1 =	rddreg [dreg:$0x4];
	s12 =	simm.s32 $0x1  }
0x6: {  	s13 =	simm.s32 $0x78F8;
	s14 =	simm.s32 $0x80;
	s15 =	simm.s32 $0x400  }
0x7: {  	s16 =	simm.s32 $0x0;
	s5 =	sand.u32 $0x1, s3;
	s7 =	sshll.u32 s8, $0x1  }
0x8: {  	s3 =	simm.s32 $0x0;
	s9 =	sshrl.u32 s8, $0x2;
	p0 =	sgt.u32 s8, $0xD  }
0x9: {  	s7 =	sor.u32 s5, s7;
	[smem:$0x7FF] =	sst s3;
	s9 =	smul.u32 $0x13C00, s9  }
0xa: {  	s5 =	ssub.s32 $0x2, s5;
	s10 =	sshll.u32 s7, $0x7;
	s30 =	smul.u32 $0x4E, s7  }
0xb: {  	_ =	strace $0x80000047;
	s7 =	smax.u32 s7, $0x1C;
	s10 =	sand.u32 $0x380, s10  }
0xc: {  	s11 =	sshrl.u32 s5, $0x1;
	s9 =	sor.u32 s9, s10;
	s31 =	sadd.s32 s30, s7  }
0xd: {  	s11 =	ssub.s32 s5, s11;
	s9 =	sshrl.u32 s9, $0x3;
	s7 =	sshll.u32 s31, $0x5  }
0xe: {  	s9 =	sadd.s32 s9, s4;
	s4 =	simm.s32 $0x278;
	s6 =	sadd.s32 s6, s7  }
0xf: {  	s5 =	simm.s32 $0x278;
	s4 =	simm.s32 @!p0 $0x270;
	s6 =	sadd.s32 $0xFFFFFC80, s6  }
0x10: {  	s7 =	sadd.s32 $0x1000, s9;
	p0 =	sne.s32 s8, $0x0;
	s8 =	smax.u32 s11, $0x1  }
0x11: {  	v0 =	vimm.f32 $0.0e+00;
	s9 =	simm.s32 $0x29F8;
	s11 =	simm.s32 $0x2;
	s10 =	sshrl.u32 @!p0 s2, $0x3  }
.LBB2_1:
0x12: {  	[tilespmem:s9], [sflag:$0x1] =	stream.linear.gather [hbm4b:s6+s3], $0x4F00, $0x38;
	[tilespmem:$0xA078] =	vst v63  }
0x13: {  	s17 =	simm.s32 @!p0 $0x1C02;
	_ =	strace $0x80000048  }
0x14: {  	[spmem:s10], [sflag:s17] =	dma.local @!p0 [hbm:s0], $0x4F0  }
0x15: {  	s17 =	simm.s32 @!p0 $0x2  }
0x16: {  	_ =	swait.ge @!p0 [sflag:s17], $0x4F0  }
0x17: {  	[sflag:s17] =	ssyncset.done @!p0 $0x0  }
0x18: {  	[sflag:s17] =	ssyncadd.s32 @!p0 $0xFFFFFB10  }
0x19: {  	[bflag:$0x0] =	sbarrier.arrive $0xFFFF  }
0x1a: {  	[tilespmem:s5], [sflag:$0x2] =	stream.linear.gather [spmem:s2], $0x2780, $0x200038;
	[tilespmem:$0xA078] =	vst v63  }
0x1b: {  	_ =	swait.ge [sflag:s11], $0x2780  }
0x1c: {  	[sflag:s11] =	ssyncset.done $0x0  }
0x1d: {  	[sflag:s11] =	ssyncadd.s32 $0xFFFFD880  }
0x1e: {  	s17 =	simm.s32 $0x7938;
	_ =	strace $0x90000048  }
0x1f: {  	_ =	strace $0x80000049;
	[tilespmem:s17+$0xFFFFFFC0] =	vst v0  }
0x20: {  	[tilespmem:s17+$0x30] =	vst v0  }
0x21: {  	[tilespmem:s17+$0x20] =	vst v0  }
0x22: {  	[tilespmem:s17+$0x10] =	vst v0  }
0x23: {  	[tilespmem:s17+$0x0] =	vst v0  }
0x24: {  	[tilespmem:s17+$0xFFFFFFF0] =	vst v0  }
0x25: {  	s18 =	simm.s32 $0x0;
	[tilespmem:s17+$0xFFFFFFE0] =	vst v0  }
.LBB2_2:
0x26: {  	s18 =	sadd.s32 $0x8, s18;
	[tilespmem:s17+$0xFFFFFFD0] =	vst v0;
	s17 =	sadd.s32 $0x80, s17  }
0x27: {  	[tilespmem:s17+$0xFFFFFFC0] =	vst v0;
	p1 =	slt.u32 s18, $0x268  }
0x28: {  	[tilespmem:s17+$0x30] =	vst v0  }
.Ltmp0:
0x29: {  	[tilespmem:s17+$0x20] =	vst v0;
	(pc) =	sbr.rel @p1 .LBB2_2-.Ltmp0, $4  }
0x2a: {  	[tilespmem:s17+$0x10] =	vst v0  }
0x2b: {  	[tilespmem:s17+$0x0] =	vst v0  }
0x2c: {  	[tilespmem:s17+$0xFFFFFFF0] =	vst v0  }
0x2d: {  	[tilespmem:s17+$0xFFFFFFE0] =	vst v0  }
0x2e: {  	[tilespmem:s17+$0xFFFFFFD0] =	vst v0  }
0x2f: {  	[tilespmem:$0x9FF8] =	vst v0  }
0x30: {  	_ =	strace $0x90000049  }
0x31: {  	_ =	strace $0x8000004A  }
0x32: {  	_ =	swait.ge [sflag:s12], $0x4F00  }
0x33: {  	[sflag:s12] =	ssyncset.done $0x0  }
0x34: {  	[sflag:s12] =	ssyncadd.s32 $0xFFFFB100  }
0x35: {  	_ =	strace $0x9000004A  }
0x36: {  	s31 =	simm.s32 $0x2A78;
	_ =	strace $0x8000004B  }
0x37: {  	v1 =	vld [tilespmem:s31+$0xFFFFFFF0]  }
0x38: {  	v2 =	vld [tilespmem:s31+$0xFFFFFF90]  }
0x39: {  	v3 =	vld [tilespmem:s31+$0xFFFFFFA0]  }
0x3a: {  	v4 =	vld [tilespmem:s31+$0xFFFFFFB0]  }
0x3b: {  	v5 =	vld [tilespmem:s31+$0xFFFFFFC0]  }
0x3c: {  	v6 =	vld [tilespmem:s31+$0xFFFFFFD0]  }
0x3d: {  	v7 =	vld [tilespmem:s31+$0x70]  }
0x3e: {  	v8 =	vld [tilespmem:s31+$0xFFFFFFE0]  }
0x3f: {  	v9 =	vld [tilespmem:s31+$0xFFFFFF80]  }
0x40: {  	v63 =	vld [tilespmem:s31+$0x0]  }
0x41: {  	v11 =	vld [tilespmem:s31+$0x10]  }
0x42: {  	v12 =	vld [tilespmem:s31+$0x20]  }
0x43: {  	v13 =	vld [tilespmem:s31+$0x30]  }
0x44: {  	v14 =	vld [tilespmem:s31+$0x40]  }
0x45: {  	v15 =	vld [tilespmem:s31+$0x50]  }
0x46: {  	v1 =	vld.idx.msk [tilespmem:v1+s5+$0x0], $0xffff  }
0x47: {  	v10 =	vld.idx.msk [tilespmem:v2+s5+$0x0], $0xffff  }
0x48: {  	v3 =	vld.idx.msk [tilespmem:v3+s5+$0x0], $0xffff  }
0x49: {  	v4 =	vld.idx.msk [tilespmem:v4+s5+$0x0], $0xffff  }
0x4a: {  	v5 =	vld.idx.msk [tilespmem:v5+s5+$0x0], $0xffff  }
0x4b: {  	v62 =	vld.idx.msk [tilespmem:v9+s5+$0x0], $0xffff  }
0x4c: {  	v6 =	vld.idx.msk [tilespmem:v6+s5+$0x0], $0xffff  }
0x4d: {  	v2 =	vld [tilespmem:s31+$0x60]  }
0x4e: {  	[tilespmem:v7+s13+$0x0] =	vst.idx.add.f32.msk $0xffff, v1  }
0x4f: {  	v1 =	vld.idx.msk [tilespmem:v8+s5+$0x0], $0xffff  }
0x50: {  	p1 =	sgt.u32 s4, $0x8;
	[tilespmem:v63+s13+$0x0] =	vst.idx.add.f32.msk $0xffff, v62  }
.Ltmp1:
0x51: {  	[tilespmem:v11+s13+$0x0] =	vst.idx.add.f32.msk $0xffff, v10;
	(pc) =	sbr.rel @!p1 .LBB2_5-.Ltmp1, $4  }
0x52: {  	[tilespmem:v12+s13+$0x0] =	vst.idx.add.f32.msk $0xffff, v3  }
0x53: {  	[tilespmem:v13+s13+$0x0] =	vst.idx.add.f32.msk $0xffff, v4  }
0x54: {  	[tilespmem:v14+s13+$0x0] =	vst.idx.add.f32.msk $0xffff, v5  }
0x55: {  	s17 =	simm.s32 $0x8;
	s18 =	simm.s32 $0x2B78;
	[tilespmem:v15+s13+$0x0] =	vst.idx.add.f32.msk $0xffff, v6  }
.LBB2_4:
0x56: {  	v3 =	vld [tilespmem:s18+$0xFFFFFFF0];
	s17 =	sadd.s32 $0x8, s17  }
0x57: {  	v4 =	vld [tilespmem:s18+$0xFFFFFF90];
	p1 =	slt.u32 s17, s4  }
0x58: {  	v5 =	vld [tilespmem:s18+$0xFFFFFFA0]  }
0x59: {  	v6 =	vld [tilespmem:s18+$0xFFFFFFB0]  }
0x5a: {  	v7 =	vld [tilespmem:s18+$0xFFFFFFC0]  }
0x5b: {  	v8 =	vld [tilespmem:s18+$0xFFFFFFD0]  }
0x5c: {  	v9 =	vld [tilespmem:s18+$0x70]  }
0x5d: {  	v10 =	vld [tilespmem:s18+$0xFFFFFFE0]  }
0x5e: {  	v3 =	vld.idx.msk [tilespmem:v3+s5+$0x0], $0xffff  }
0x5f: {  	v11 =	vld [tilespmem:s18+$0xFFFFFF80]  }
0x60: {  	v4 =	vld.idx.msk [tilespmem:v4+s5+$0x0], $0xffff  }
0x61: {  	v5 =	vld.idx.msk [tilespmem:v5+s5+$0x0], $0xffff  }
0x62: {  	v6 =	vld.idx.msk [tilespmem:v6+s5+$0x0], $0xffff  }
0x63: {  	v7 =	vld.idx.msk [tilespmem:v7+s5+$0x0], $0xffff  }
0x64: {  	[tilespmem:v9+s13+$0x0] =	vst.idx.add.f32.msk $0xffff, v3  }
0x65: {  	v3 =	vld.idx.msk [tilespmem:v8+s5+$0x0], $0xffff  }
0x66: {  	v8 =	vld.idx.msk [tilespmem:v10+s5+$0x0], $0xffff  }
0x67: {  	v9 =	vld.idx.msk [tilespmem:v11+s5+$0x0], $0xffff  }
0x68: {  	v10 =	vld [tilespmem:s18+$0x0]  }
0x69: {  	v11 =	vld [tilespmem:s18+$0x10]  }
0x6a: {  	v12 =	vld [tilespmem:s18+$0x20]  }
0x6b: {  	v13 =	vld [tilespmem:s18+$0x30]  }
0x6c: {  	v14 =	vld [tilespmem:s18+$0x40]  }
0x6d: {  	v15 =	vld [tilespmem:s18+$0x50]  }
0x6e: {  	v16 =	vld [tilespmem:s18+$0x60]  }
0x6f: {  	[tilespmem:v2+s13+$0x0] =	vst.idx.add.f32.msk $0xffff, v1;
	v1 =	vmov v8  }
0x70: {  	[tilespmem:v10+s13+$0x0] =	vst.idx.add.f32.msk $0xffff, v9  }
.Ltmp2:
0x71: {  	[tilespmem:v11+s13+$0x0] =	vst.idx.add.f32.msk $0xffff, v4;
	(pc) =	sbr.rel @p1 .LBB2_4-.Ltmp2, $4  }
0x72: {  	[tilespmem:v12+s13+$0x0] =	vst.idx.add.f32.msk $0xffff, v5  }
0x73: {  	[tilespmem:v13+s13+$0x0] =	vst.idx.add.f32.msk $0xffff, v6;
	v2 =	vmov v16  }
0x74: {  	[tilespmem:v14+s13+$0x0] =	vst.idx.add.f32.msk $0xffff, v7  }
0x75: {  	s18 =	sadd.s32 $0x100, s18;
	[tilespmem:v15+s13+$0x0] =	vst.idx.add.f32.msk $0xffff, v3  }
.LBB2_5:
0x76: {  	_ =	sdelay $0x3  }
0x77: {  	[tilespmem:v2+s13+$0x0] =	vst.idx.add.f32.msk $0xffff, v1  }
0x78: {  	s16 =	sadd.s32 $0x1, s16;
	_ =	strace $0x9000004B  }
0x79: {  	p1 =	seq.s32 s16, s8;
	_ =	strace $0x8000004C  }
0x7a: {  	[hbm4b:s7+s14] =	stream.strided.scatter [tilespmem:s13], [sflag:$0x2], $0x2780, s15, s14, $0x200038;
	[tilespmem:$0xA078] =	vst v63  }
.Ltmp3:
0x7b: {  	_ = 	snop;
	(pc) =	sbr.rel @!p1 .LBB2_1-.Ltmp3, $4  }
0x7c: {  	_ =	swait.ge [sflag:s11], $0x2780  }
0x7d: {  	[sflag:s11] =	ssyncset.done $0x0  }
0x7e: {  	[sflag:s11] =	ssyncadd.s32 $0xFFFFD880  }
0x7f: {  	_ =	strace $0x9000004C  }
0x80: {  	_ =	sfence.sel $0x180000  }
0x81: {  	[bflag:$0x0] =	sbarrier.arrive $0xFFFF  }
0x82: {  	_ =	strace $0x90000047  }
0x83: {  	s0 =	sadd.s32 @!p0 $0x100000, s1;
	[bflag:$0x2] =	sbarrier.arrive $0xFFFF  }
0x84: {  	[sflag:s0] =	ssyncadd.tile.s32 @!p0 $0x1;
	_ =	shalt  }
.Lfunc_end2:
_tile_overlayer_lowered:
.L_overlay_start_2:
0x85: {  	(tag) =	ssettag $0x2  }
0x86: {  	s0 =	rddreg [dreg:$0x0];
	s2 =	stileid.u32  }
0x87: {  	s1 =	rddreg [dreg:$0x1];
	p0 =	sne.s32 s2, $0x0  }
0x88: {  	s3 =	rddreg [dreg:$0x2];
	[bflag:$0x3] =	sbarrier.arrive $0xFFFF;
	s2 =	simm.s32 @!p0 $0x1C02  }
0x89: {  	[timem:s3], [sflag:s2] =	dma.local @!p0 [hbm:s0], s1  }
0x8a: {  	s0 =	simm.s32 @!p0 $0x2  }
0x8b: {  	_ =	swait.ge @!p0 [sflag:s0], s1  }
0x8c: {  	s1 =	ssub.s32 @!p0 $0x0, s1;
	[sflag:s0] =	ssyncset.done @!p0 $0x0  }
0x8d: {  	[sflag:s0] =	ssyncadd.s32 @!p0 s1  }
0x8e: {  	[bflag:$0x3] =	sbarrier.arrive $0xFFFF  }
0x8f: {  	_ =	shalt  }

</sc_bundles>
